<compile_context>
chip_gen: v7x
topology: tpu7x:2x2x1
jax: 0.10.2.dev20260603
libtpu: 0.0.44.dev20260713+nightly
codegen_flags: <defaults>
</compile_context>

<pallas_src>
import functools

import jax
import jax.numpy as jnp
from jax import lax
from jax.experimental import pallas as pl
from jax.experimental.pallas import tpu as pltpu
from jax.experimental.pallas import tpu_sc as plsc

_NQ = 8192
_K = 512
_D = 128
_CS = 2048


def _conv(x, w, stride, pad):
    return lax.conv_general_dilated(
        x, w, (stride, stride), ((pad, pad), (pad, pad)),
        dimension_numbers=('NCHW', 'OIHW', 'NCHW'))


def _conv_t(x, w, stride, pad):
    wp = jnp.flip(jnp.transpose(w, (1, 0, 2, 3)), axis=(2, 3))
    k = w.shape[2]
    p = k - 1 - pad
    return lax.conv_general_dilated(
        x, wp, (1, 1), ((p, p), (p, p)), lhs_dilation=(stride, stride),
        dimension_numbers=('NCHW', 'OIHW', 'NCHW'))


def _res_block(x, w3, w1):
    out = jax.nn.relu(x)
    out = _conv(out, w3, 1, 1)
    out = jax.nn.relu(out)
    out = _conv(out, w1, 1, 0)
    return out + x


def _vq_idx_body(zenc_ref, embd_ref, qidx_ref, tidx_ref):
    embd = embd_ref[...]
    tn = jnp.sum(embd * embd, axis=1)
    colmin = jnp.full((_K,), jnp.inf, jnp.float32)
    colarg = jnp.zeros((_K,), jnp.int32)
    for c in range(_NQ // _CS):
        q = zenc_ref[pl.ds(c * _CS, _CS), :]
        qn = jnp.sum(q * q, axis=1)
        qt = lax.dot_general(q, embd, (((1,), (1,)), ((), ())),
                             preferred_element_type=jnp.float32)
        dist = jnp.sqrt(jnp.maximum(
            qn[:, None] + tn[None, :] - 2.0 * qt, 0.0))
        rowmin = jnp.min(dist, axis=1)
        jcol = lax.broadcasted_iota(jnp.int32, (_CS, _K), 1)
        ridx = jnp.min(jnp.where(dist == rowmin[:, None], jcol, _K), axis=1)
        qidx_ref[pl.ds(c * _CS, _CS)] = ridx
        et = lax.dot_general(embd, q, (((1,), (1,)), ((), ())),
                             preferred_element_type=jnp.float32)
        dist2 = jnp.sqrt(jnp.maximum(
            tn[:, None] + qn[None, :] - 2.0 * et, 0.0))
        cmin = jnp.min(dist2, axis=1)
        icol = lax.broadcasted_iota(jnp.int32, (_K, _CS), 1)
        carg = jnp.min(jnp.where(dist2 == cmin[:, None], icol, _CS),
                       axis=1) + c * _CS
        upd = cmin < colmin
        colarg = jnp.where(upd, carg, colarg)
        colmin = jnp.where(upd, cmin, colmin)
    tidx_ref[...] = colarg


def _vq_idx(zenc, embd):
    return pl.pallas_call(
        _vq_idx_body,
        out_shape=[
            jax.ShapeDtypeStruct((_NQ,), jnp.int32),
            jax.ShapeDtypeStruct((_K,), jnp.int32),
        ],
    )(zenc, embd)


def _make_sc_gather():
    info = plsc.get_sparse_core_info()
    nw = info.num_cores * info.num_subcores
    bq = _NQ // nw
    bt = _K // nw
    mesh = plsc.VectorSubcoreMesh(core_axis_name="c", subcore_axis_name="s")

    @functools.partial(
        pl.kernel, mesh=mesh,
        out_type=[
            jax.ShapeDtypeStruct((_NQ, _D), jnp.float32),
            jax.ShapeDtypeStruct((_K, _D), jnp.float32),
        ],
        scratch_types=[
            pltpu.VMEM((bq,), jnp.int32),
            pltpu.VMEM((bq, _D), jnp.float32),
            pltpu.VMEM((bt,), jnp.int32),
            pltpu.VMEM((bt, _D), jnp.float32),
            pltpu.SemaphoreType.DMA,
        ],
    )
    def sc_gather(embd_hbm, qidx_hbm, zenc_hbm, tidx_hbm,
                  zdec_hbm, tg_hbm,
                  qidx_v, qrows_v, tidx_v, trows_v, sem):
        wid = lax.axis_index("s") * info.num_cores + lax.axis_index("c")
        qb = wid * bq
        pltpu.sync_copy(qidx_hbm.at[pl.ds(qb, bq)], qidx_v)
        pltpu.async_copy(embd_hbm.at[qidx_v], qrows_v, sem).wait()
        pltpu.sync_copy(qrows_v, zdec_hbm.at[pl.ds(qb, bq)])
        tb = wid * bt
        pltpu.sync_copy(tidx_hbm.at[pl.ds(tb, bt)], tidx_v)
        pltpu.async_copy(zenc_hbm.at[tidx_v], trows_v, sem).wait()
        pltpu.sync_copy(trows_v, tg_hbm.at[pl.ds(tb, bt)])

    return sc_gather


_sc_gather = _make_sc_gather()


def kernel(x, enc_c1, enc_c2, enc_r1w1, enc_r1w2, enc_r2w1, enc_r2w2, embd,
           dec_r1w1, dec_r1w2, dec_r2w1, dec_r2w2, dec_t1, dec_t2):
    z = _conv(x, enc_c1, 2, 1)
    z = _conv(z, enc_c2, 2, 1)
    z = _res_block(z, enc_r1w1, enc_r1w2)
    Z_enc_ori = _res_block(z, enc_r2w1, enc_r2w2)
    z_bs, z_c, z_w, z_h = Z_enc_ori.shape
    Z_enc = jnp.transpose(Z_enc_ori, (0, 2, 3, 1)).reshape(-1, _D)
    qidx, tidx = _vq_idx(Z_enc, embd)
    Z_dec_flat, Z_enc_for_embd = _sc_gather(embd, qidx, Z_enc, tidx)
    Z_dec = jnp.transpose(Z_dec_flat.reshape(z_bs, z_w, z_h, z_c), (0, 3, 1, 2))
    y = _res_block(Z_dec, dec_r1w1, dec_r1w2)
    y = _res_block(y, dec_r2w1, dec_r2w2)
    y = _conv_t(y, dec_t1, 2, 1)
    y = _conv_t(y, dec_t2, 2, 1)
    X_recon = jnp.tanh(y)
    return (X_recon, Z_enc_ori, Z_dec, Z_enc_for_embd)

# --- scband reference (transcript-rebuilt; emitter-appended) ---
"""Pipeline reference for scband-model-cifar10-42528766165359 (READ-ONLY COPY).

The authoritative reference and input builder live on the scoring server;
editing this copy changes nothing except your own understanding.
"""

import jax, jax.numpy as jnp
import numpy as np

K_DIM = 512
Z_DIM = 128

def _conv(x, w, stride, pad):
    return jax.lax.conv_general_dilated(x, w, (stride, stride), ((pad, pad), (pad, pad)), dimension_numbers=('NCHW', 'OIHW', 'NCHW'))

def _conv_t(x, w, stride, pad):
    # PyTorch ConvTranspose2d(k,s,p) == dilated conv with lhs_dilation=s, pad k-1-p, flipped/transposed kernel
    wp = jnp.flip(jnp.transpose(w, (1, 0, 2, 3)), axis=(2, 3))
    k = w.shape[2]
    p = k - 1 - pad
    return jax.lax.conv_general_dilated(x, wp, (1, 1), ((p, p), (p, p)), lhs_dilation=(stride, stride), dimension_numbers=('NCHW', 'OIHW', 'NCHW'))

def _res_block(x, w3, w1):
    out = jax.nn.relu(x)
    out = _conv(out, w3, 1, 1)
    out = jax.nn.relu(out)
    out = _conv(out, w1, 1, 0)
    return out + x

def _find_nearest(query, target):
    # same math as torch: sqrt(sum((Q-T)^2, -1)), argmin over codebook axis, gather rows
    d2 = jnp.sum(query ** 2, axis=1)[:, None] + jnp.sum(target ** 2, axis=1)[None, :] - 2.0 * (query @ target.T)
    dist = jnp.sqrt(jnp.maximum(d2, 0.0))
    idx = jnp.argmin(dist, axis=1)
    return target[idx]

def _kaiming(key, shape):
    fan_in = shape[1] * shape[2] * shape[3]
    return jax.random.normal(key, shape, dtype=jnp.float32) * np.float32(np.sqrt(2.0 / fan_in))

def setup_inputs(seed: int = 0):
    key = jax.random.key(seed)
    ks = jax.random.split(key, 16)
    h = Z_DIM
    inp = {}
    inp['x'] = jax.random.normal(ks[0], (8, 3, 128, 128), dtype=jnp.float32)
    inp['enc_c1'] = _kaiming(ks[1], (h, 3, 4, 4))
    inp['enc_c2'] = _kaiming(ks[2], (h, h, 4, 4))
    inp['enc_r1w1'] = _kaiming(ks[3], (h, h, 3, 3))
    inp['enc_r1w2'] = _kaiming(ks[4], (h, h, 1, 1))
    inp['enc_r2w1'] = _kaiming(ks[5], (h, h, 3, 3))
    inp['enc_r2w2'] = _kaiming(ks[6], (h, h, 1, 1))
    inp['embd'] = jax.random.uniform(ks[7], (K_DIM, Z_DIM), dtype=jnp.float32)
    inp['dec_r1w1'] = _kaiming(ks[8], (h, h, 3, 3))
    inp['dec_r1w2'] = _kaiming(ks[9], (h, h, 1, 1))
    inp['dec_r2w1'] = _kaiming(ks[10], (h, h, 3, 3))
    inp['dec_r2w2'] = _kaiming(ks[11], (h, h, 1, 1))
    inp['dec_t1'] = _kaiming(ks[12], (h, h, 4, 4))
    inp['dec_t2'] = _kaiming(ks[13], (h, 3, 4, 4))
    return inp

def reference(x, enc_c1, enc_c2, enc_r1w1, enc_r1w2, enc_r2w1, enc_r2w2, embd, dec_r1w1, dec_r1w2, dec_r2w1, dec_r2w2, dec_t1, dec_t2):
    z = _conv(x, enc_c1, 2, 1)
    z = _conv(z, enc_c2, 2, 1)
    z = _res_block(z, enc_r1w1, enc_r1w2)
    Z_enc_ori = _res_block(z, enc_r2w1, enc_r2w2)
    z_bs, z_c, z_w, z_h = Z_enc_ori.shape
    Z_enc = jnp.transpose(Z_enc_ori, (0, 2, 3, 1)).reshape(-1, Z_DIM)
    Z_dec = _find_nearest(Z_enc, embd)
    Z_dec = Z_dec.reshape(z_bs, z_w, z_h, z_c)
    Z_dec = jnp.transpose(Z_dec, (0, 3, 1, 2))
    y = _res_block(Z_dec, dec_r1w1, dec_r1w2)
    y = _res_block(y, dec_r2w1, dec_r2w2)
    y = _conv_t(y, dec_t1, 2, 1)
    y = _conv_t(y, dec_t2, 2, 1)
    X_recon = jnp.tanh(y)
    Z_enc_for_embd = _find_nearest(embd, Z_enc)
    return (X_recon, Z_enc_ori, Z_dec, Z_enc_for_embd)

if __name__ == "__main__":
    import jax
    _d = setup_inputs()
    print(jax.jit(kernel)(*tuple(_d.values())))

</pallas_src>

<mosaic_0001>
#map = affine_map<(d0, d1) -> (0, 0)>
#map1 = affine_map<(d0, d1) -> (0)>
module attributes {stable_mosaic.version = 14 : i64} {
  func.func @sc_gather(%arg0: i32, %arg1: i32, %arg2: memref<512x128xf32, #tpu.memory_space<hbm>>, %arg3: memref<8192xi32, #tpu.memory_space<hbm>>, %arg4: memref<8192x128xf32, #tpu.memory_space<hbm>>, %arg5: memref<512xi32, #tpu.memory_space<hbm>>, %arg6: memref<8192x128xf32, #tpu.memory_space<hbm>>, %arg7: memref<512x128xf32, #tpu.memory_space<hbm>>, %arg8: memref<256xi32, #tpu.memory_space<vmem>>, %arg9: memref<256x128xf32, #tpu.memory_space<vmem>>, %arg10: memref<16xi32, #tpu.memory_space<vmem>>, %arg11: memref<16x128xf32, #tpu.memory_space<vmem>>, %arg12: memref<!tpu.dma_semaphore, #tpu.memory_space<semaphore_mem>>) attributes {dimension_semantics = [#tpu.dimension_semantics<core_parallel>, #tpu.dimension_semantics<subcore_parallel>], iteration_bounds = array<i64: 2, 16>, scalar_prefetch = 0 : i64, scratch_operands = 5 : i64, tpu.core_type = #tpu.core_type<sc_vector_subcore>, window_params = [{transform_indices = #map}, {transform_indices = #map1}, {transform_indices = #map}, {transform_indices = #map1}, {transform_indices = #map}, {transform_indices = #map}]} {
    %mul3A = arith.constant 2 : i32
    %mul3A_0 = arith.muli %arg1, %mul3A : i32
    %add3A = arith.addi %mul3A_0, %arg0 : i32
    %mul3A_1 = arith.constant 256 : i32
    %mul3A_2 = arith.muli %add3A, %mul3A_1 : i32
    "tpu.region"() ({
      %run_scoped3A = tpu.sem_alloc : memref<!tpu.dma_semaphore, #tpu.memory_space<semaphore_mem>>
      %dma_start3A_15 = tpu.memref_slice %arg3[%mul3A_2] : memref<8192xi32, #tpu.memory_space<hbm>> -> memref<256xi32, #tpu.memory_space<hbm>>
      %dma_start3A_16 = tpu.memref_slice %arg3[%mul3A_2] : memref<8192xi32, #tpu.memory_space<hbm>> -> memref<256xi32, #tpu.memory_space<hbm>>
      tpu.enqueue_dma source(%dma_start3A_16 : memref<256xi32, #tpu.memory_space<hbm>>) target(%arg8 : memref<256xi32, #tpu.memory_space<vmem>>) target_semaphore(%run_scoped3A : memref<!tpu.dma_semaphore, #tpu.memory_space<semaphore_mem>>)
      %dma_wait3A_17 = tpu.memref_slice %arg3[%mul3A_2] : memref<8192xi32, #tpu.memory_space<hbm>> -> memref<256xi32, #tpu.memory_space<hbm>>
      %dma_wait3A_18 = tpu.memref_slice %arg3[%mul3A_2] : memref<8192xi32, #tpu.memory_space<hbm>> -> memref<256xi32, #tpu.memory_space<hbm>>
      tpu.wait_dma2 semaphore(%run_scoped3A : memref<!tpu.dma_semaphore, #tpu.memory_space<semaphore_mem>>) src(%dma_wait3A_18 : memref<256xi32, #tpu.memory_space<hbm>>) dst(%arg8 : memref<256xi32, #tpu.memory_space<vmem>>)
      tpu.yield
    }) : () -> ()
    %dma_start3A = arith.constant 0 : i32
    %dma_start3A_3 = arith.constant 0 : i32
    %dma_start3A_4 = tpu.memref_slice %arg2[%dma_start3A, %dma_start3A_3] : memref<512x128xf32, #tpu.memory_space<hbm>> -> memref<512x128xf32, #tpu.memory_space<hbm>>
    tpu.enqueue_indirect_dma source(%dma_start3A_4 : memref<512x128xf32, #tpu.memory_space<hbm>>) target(%arg9 : memref<256x128xf32, #tpu.memory_space<vmem>>) offsets(%arg8 : memref<256xi32, #tpu.memory_space<vmem>>) semaphore(%arg12 : memref<!tpu.dma_semaphore, #tpu.memory_space<semaphore_mem>>)
    %dma_wait3A = arith.constant 0 : i32
    %dma_wait3A_5 = arith.constant 0 : i32
    %dma_wait3A_6 = tpu.memref_slice %arg2[%dma_wait3A, %dma_wait3A_5] : memref<512x128xf32, #tpu.memory_space<hbm>> -> memref<512x128xf32, #tpu.memory_space<hbm>>
    tpu.wait_indirect_dma semaphore(%arg12 : memref<!tpu.dma_semaphore, #tpu.memory_space<semaphore_mem>>) src(%dma_wait3A_6 : memref<512x128xf32, #tpu.memory_space<hbm>>) dst(%arg9 : memref<256x128xf32, #tpu.memory_space<vmem>>)
    "tpu.region"() ({
      %run_scoped3A = tpu.sem_alloc : memref<!tpu.dma_semaphore, #tpu.memory_space<semaphore_mem>>
      %dma_start3A_15 = arith.constant 0 : i32
      %dma_start3A_16 = tpu.memref_slice %arg6[%mul3A_2, %dma_start3A_15] : memref<8192x128xf32, #tpu.memory_space<hbm>> -> memref<256x128xf32, #tpu.memory_space<hbm>>
      %dma_start3A_17 = arith.constant 0 : i32
      %dma_start3A_18 = tpu.memref_slice %arg6[%mul3A_2, %dma_start3A_17] : memref<8192x128xf32, #tpu.memory_space<hbm>> -> memref<256x128xf32, #tpu.memory_space<hbm>>
      tpu.enqueue_dma source(%arg9 : memref<256x128xf32, #tpu.memory_space<vmem>>) target(%dma_start3A_18 : memref<256x128xf32, #tpu.memory_space<hbm>>) target_semaphore(%run_scoped3A : memref<!tpu.dma_semaphore, #tpu.memory_space<semaphore_mem>>)
      %dma_wait3A_19 = arith.constant 0 : i32
      %dma_wait3A_20 = tpu.memref_slice %arg6[%mul3A_2, %dma_wait3A_19] : memref<8192x128xf32, #tpu.memory_space<hbm>> -> memref<256x128xf32, #tpu.memory_space<hbm>>
      %dma_wait3A_21 = arith.constant 0 : i32
      %dma_wait3A_22 = tpu.memref_slice %arg6[%mul3A_2, %dma_wait3A_21] : memref<8192x128xf32, #tpu.memory_space<hbm>> -> memref<256x128xf32, #tpu.memory_space<hbm>>
      tpu.wait_dma2 semaphore(%run_scoped3A : memref<!tpu.dma_semaphore, #tpu.memory_space<semaphore_mem>>) src(%arg9 : memref<256x128xf32, #tpu.memory_space<vmem>>) dst(%dma_wait3A_22 : memref<256x128xf32, #tpu.memory_space<hbm>>)
      tpu.yield
    }) : () -> ()
    %mul3A_7 = arith.constant 16 : i32
    %mul3A_8 = arith.muli %add3A, %mul3A_7 : i32
    "tpu.region"() ({
      %run_scoped3A = tpu.sem_alloc : memref<!tpu.dma_semaphore, #tpu.memory_space<semaphore_mem>>
      %dma_start3A_15 = tpu.memref_slice %arg5[%mul3A_8] : memref<512xi32, #tpu.memory_space<hbm>> -> memref<16xi32, #tpu.memory_space<hbm>>
      %dma_start3A_16 = tpu.memref_slice %arg5[%mul3A_8] : memref<512xi32, #tpu.memory_space<hbm>> -> memref<16xi32, #tpu.memory_space<hbm>>
      tpu.enqueue_dma source(%dma_start3A_16 : memref<16xi32, #tpu.memory_space<hbm>>) target(%arg10 : memref<16xi32, #tpu.memory_space<vmem>>) target_semaphore(%run_scoped3A : memref<!tpu.dma_semaphore, #tpu.memory_space<semaphore_mem>>)
      %dma_wait3A_17 = tpu.memref_slice %arg5[%mul3A_8] : memref<512xi32, #tpu.memory_space<hbm>> -> memref<16xi32, #tpu.memory_space<hbm>>
      %dma_wait3A_18 = tpu.memref_slice %arg5[%mul3A_8] : memref<512xi32, #tpu.memory_space<hbm>> -> memref<16xi32, #tpu.memory_space<hbm>>
      tpu.wait_dma2 semaphore(%run_scoped3A : memref<!tpu.dma_semaphore, #tpu.memory_space<semaphore_mem>>) src(%dma_wait3A_18 : memref<16xi32, #tpu.memory_space<hbm>>) dst(%arg10 : memref<16xi32, #tpu.memory_space<vmem>>)
      tpu.yield
    }) : () -> ()
    %dma_start3A_9 = arith.constant 0 : i32
    %dma_start3A_10 = arith.constant 0 : i32
    %dma_start3A_11 = tpu.memref_slice %arg4[%dma_start3A_9, %dma_start3A_10] : memref<8192x128xf32, #tpu.memory_space<hbm>> -> memref<8192x128xf32, #tpu.memory_space<hbm>>
    tpu.enqueue_indirect_dma source(%dma_start3A_11 : memref<8192x128xf32, #tpu.memory_space<hbm>>) target(%arg11 : memref<16x128xf32, #tpu.memory_space<vmem>>) offsets(%arg10 : memref<16xi32, #tpu.memory_space<vmem>>) semaphore(%arg12 : memref<!tpu.dma_semaphore, #tpu.memory_space<semaphore_mem>>)
    %dma_wait3A_12 = arith.constant 0 : i32
    %dma_wait3A_13 = arith.constant 0 : i32
    %dma_wait3A_14 = tpu.memref_slice %arg4[%dma_wait3A_12, %dma_wait3A_13] : memref<8192x128xf32, #tpu.memory_space<hbm>> -> memref<8192x128xf32, #tpu.memory_space<hbm>>
    tpu.wait_indirect_dma semaphore(%arg12 : memref<!tpu.dma_semaphore, #tpu.memory_space<semaphore_mem>>) src(%dma_wait3A_14 : memref<8192x128xf32, #tpu.memory_space<hbm>>) dst(%arg11 : memref<16x128xf32, #tpu.memory_space<vmem>>)
    "tpu.region"() ({
      %run_scoped3A = tpu.sem_alloc : memref<!tpu.dma_semaphore, #tpu.memory_space<semaphore_mem>>
      %dma_start3A_15 = arith.constant 0 : i32
      %dma_start3A_16 = tpu.memref_slice %arg7[%mul3A_8, %dma_start3A_15] : memref<512x128xf32, #tpu.memory_space<hbm>> -> memref<16x128xf32, #tpu.memory_space<hbm>>
      %dma_start3A_17 = arith.constant 0 : i32
      %dma_start3A_18 = tpu.memref_slice %arg7[%mul3A_8, %dma_start3A_17] : memref<512x128xf32, #tpu.memory_space<hbm>> -> memref<16x128xf32, #tpu.memory_space<hbm>>
      tpu.enqueue_dma source(%arg11 : memref<16x128xf32, #tpu.memory_space<vmem>>) target(%dma_start3A_18 : memref<16x128xf32, #tpu.memory_space<hbm>>) target_semaphore(%run_scoped3A : memref<!tpu.dma_semaphore, #tpu.memory_space<semaphore_mem>>)
      %dma_wait3A_19 = arith.constant 0 : i32
      %dma_wait3A_20 = tpu.memref_slice %arg7[%mul3A_8, %dma_wait3A_19] : memref<512x128xf32, #tpu.memory_space<hbm>> -> memref<16x128xf32, #tpu.memory_space<hbm>>
      %dma_wait3A_21 = arith.constant 0 : i32
      %dma_wait3A_22 = tpu.memref_slice %arg7[%mul3A_8, %dma_wait3A_21] : memref<512x128xf32, #tpu.memory_space<hbm>> -> memref<16x128xf32, #tpu.memory_space<hbm>>
      tpu.wait_dma2 semaphore(%run_scoped3A : memref<!tpu.dma_semaphore, #tpu.memory_space<semaphore_mem>>) src(%arg11 : memref<16x128xf32, #tpu.memory_space<vmem>>) dst(%dma_wait3A_22 : memref<16x128xf32, #tpu.memory_space<hbm>>)
      tpu.yield
    }) : () -> ()
    return
  }
}

module attributes {stable_mosaic.version = 14 : i64} {
  func.func @_vq_idx_body(%arg0: memref<8192x128xf32, #tpu.memory_space<vmem>>, %arg1: memref<512x128xf32, #tpu.memory_space<vmem>>, %arg2: memref<8192xi32, #tpu.memory_space<vmem>>, %arg3: memref<512xi32, #tpu.memory_space<vmem>>) attributes {dimension_semantics = [], scalar_prefetch = 0 : i64, scratch_operands = 0 : i64, tpu.core_type = #tpu.core_type<tc>} {
    %get3A = arith.constant 0 : index
    %get3A_0 = arith.constant 0 : index
    %get3A_1 = vector.load %arg1[%get3A, %get3A_0] : memref<512x128xf32, #tpu.memory_space<vmem>>, vector<512x128xf32>
    %mul3A = arith.mulf %get3A_1, %get3A_1 : vector<512x128xf32>
    %reduce_sum3A = arith.constant dense<0.000000e+00> : vector<512xf32>
    %reduce_sum3A_2 = vector.multi_reduction <add>, %mul3A, %reduce_sum3A [1] : vector<512x128xf32> to vector<512xf32>
    %broadcast_in_dim3A = arith.constant 0x7F800000 : f32
    %broadcast_in_dim3A_3 = vector.broadcast %broadcast_in_dim3A : f32 to vector<512xf32>
    %broadcast_in_dim3A_4 = arith.constant 0 : i32
    %broadcast_in_dim3A_5 = vector.broadcast %broadcast_in_dim3A_4 : i32 to vector<512xi32>
    %get3A_6 = arith.constant 0 : index
    %get3A_7 = arith.constant 0 : index
    %get3A_8 = vector.load %arg0[%get3A_6, %get3A_7] : memref<8192x128xf32, #tpu.memory_space<vmem>>, vector<2048x128xf32>
    %mul3A_9 = arith.mulf %get3A_8, %get3A_8 : vector<2048x128xf32>
    %reduce_sum3A_10 = arith.constant dense<0.000000e+00> : vector<2048xf32>
    %reduce_sum3A_11 = vector.multi_reduction <add>, %mul3A_9, %reduce_sum3A_10 [1] : vector<2048x128xf32> to vector<2048xf32>
    %dot_general3A = arith.constant dense<0.000000e+00> : vector<2048x512xf32>
    %dot_general3A_12 = tpu.matmul %get3A_8, %get3A_1, %dot_general3A {dimension_numbers = #tpu.dot_dimension_numbers<[1], [1], [0], [0], [0, 0, 1, 0], [], []>, transpose_lhs_hint = false} : vector<2048x128xf32>, vector<512x128xf32>, vector<2048x512xf32> -> vector<2048x512xf32>
    %broadcast_in_dim3A_13 = vector.shape_cast %reduce_sum3A_11 : vector<2048xf32> to vector<2048x1xf32>
    %broadcast_in_dim3A_14 = vector.shape_cast %reduce_sum3A_2 : vector<512xf32> to vector<1x512xf32>
    %add3A = vector.broadcast %broadcast_in_dim3A_13 : vector<2048x1xf32> to vector<2048x512xf32>
    %add3A_15 = vector.broadcast %broadcast_in_dim3A_14 : vector<1x512xf32> to vector<2048x512xf32>
    %add3A_16 = arith.addf %add3A, %add3A_15 : vector<2048x512xf32>
    %mul3A_17 = arith.constant 2.000000e+00 : f32
    %mul3A_18 = vector.broadcast %mul3A_17 : f32 to vector<2048x512xf32>
    %mul3A_19 = arith.mulf %mul3A_18, %dot_general3A_12 : vector<2048x512xf32>
    %sub3A = arith.subf %add3A_16, %mul3A_19 : vector<2048x512xf32>
    %max3A = arith.constant 0.000000e+00 : f32
    %max3A_20 = vector.broadcast %max3A : f32 to vector<2048x512xf32>
    %max3A_21 = arith.maximumf %sub3A, %max3A_20 : vector<2048x512xf32>
    %sqrt3A = math.sqrt %max3A_21 : vector<2048x512xf32>
    %reduce_min3A = arith.constant dense<0x7F800000> : vector<2048xf32>
    %reduce_min3A_22 = vector.multi_reduction <minimumf>, %sqrt3A, %reduce_min3A [1] : vector<2048x512xf32> to vector<2048xf32>
    %iota3A = tpu.iota {dimensions = array<i32: 1>} : vector<2048x512xi32>
    %broadcast_in_dim3A_23 = vector.shape_cast %reduce_min3A_22 : vector<2048xf32> to vector<2048x1xf32>
    %eq3A = vector.broadcast %broadcast_in_dim3A_23 : vector<2048x1xf32> to vector<2048x512xf32>
    %eq3A_24 = arith.cmpf oeq, %sqrt3A, %eq3A : vector<2048x512xf32>
    %jit3A = arith.constant 512 : i32
    %broadcast_in_dim3A_25 = vector.broadcast %jit3A : i32 to vector<2048x512xi32>
    %select_n3A = arith.select %eq3A_24, %iota3A, %broadcast_in_dim3A_25 : vector<2048x512xi1>, vector<2048x512xi32>
    %reduce_min3A_26 = arith.constant dense<2147483647> : vector<2048xi32>
    %reduce_min3A_27 = vector.multi_reduction <minsi>, %select_n3A, %reduce_min3A_26 [1] : vector<2048x512xi32> to vector<2048xi32>
    %swap3A = arith.constant 0 : index
    %swap3A_28 = vector.load %arg2[%swap3A] : memref<8192xi32, #tpu.memory_space<vmem>>, vector<2048xi32>
    tpu.vector_store %arg2[%swap3A], %reduce_min3A_27 {strides = array<i32>} : memref<8192xi32, #tpu.memory_space<vmem>>, vector<2048xi32>,
    %dot_general3A_29 = arith.constant dense<0.000000e+00> : vector<512x2048xf32>
    %dot_general3A_30 = tpu.matmul %get3A_1, %get3A_8, %dot_general3A_29 {dimension_numbers = #tpu.dot_dimension_numbers<[1], [1], [0], [0], [0, 0, 1, 0], [], []>, transpose_lhs_hint = false} : vector<512x128xf32>, vector<2048x128xf32>, vector<512x2048xf32> -> vector<512x2048xf32>
    %broadcast_in_dim3A_31 = vector.shape_cast %reduce_sum3A_2 : vector<512xf32> to vector<512x1xf32>
    %broadcast_in_dim3A_32 = vector.shape_cast %reduce_sum3A_11 : vector<2048xf32> to vector<1x2048xf32>
    %add3A_33 = vector.broadcast %broadcast_in_dim3A_31 : vector<512x1xf32> to vector<512x2048xf32>
    %add3A_34 = vector.broadcast %broadcast_in_dim3A_32 : vector<1x2048xf32> to vector<512x2048xf32>
    %add3A_35 = arith.addf %add3A_33, %add3A_34 : vector<512x2048xf32>
    %mul3A_36 = arith.constant 2.000000e+00 : f32
    %mul3A_37 = vector.broadcast %mul3A_36 : f32 to vector<512x2048xf32>
    %mul3A_38 = arith.mulf %mul3A_37, %dot_general3A_30 : vector<512x2048xf32>
    %sub3A_39 = arith.subf %add3A_35, %mul3A_38 : vector<512x2048xf32>
    %max3A_40 = arith.constant 0.000000e+00 : f32
    %max3A_41 = vector.broadcast %max3A_40 : f32 to vector<512x2048xf32>
    %max3A_42 = arith.maximumf %sub3A_39, %max3A_41 : vector<512x2048xf32>
    %sqrt3A_43 = math.sqrt %max3A_42 : vector<512x2048xf32>
    %reduce_min3A_44 = arith.constant dense<0x7F800000> : vector<512xf32>
    %reduce_min3A_45 = vector.multi_reduction <minimumf>, %sqrt3A_43, %reduce_min3A_44 [1] : vector<512x2048xf32> to vector<512xf32>
    %iota3A_46 = tpu.iota {dimensions = array<i32: 1>} : vector<512x2048xi32>
    %broadcast_in_dim3A_47 = vector.shape_cast %reduce_min3A_45 : vector<512xf32> to vector<512x1xf32>
    %eq3A_48 = vector.broadcast %broadcast_in_dim3A_47 : vector<512x1xf32> to vector<512x2048xf32>
    %eq3A_49 = arith.cmpf oeq, %sqrt3A_43, %eq3A_48 : vector<512x2048xf32>
    %jit3A_50 = arith.constant 2048 : i32
    %broadcast_in_dim3A_51 = vector.broadcast %jit3A_50 : i32 to vector<512x2048xi32>
    %select_n3A_52 = arith.select %eq3A_49, %iota3A_46, %broadcast_in_dim3A_51 : vector<512x2048xi1>, vector<512x2048xi32>
    %reduce_min3A_53 = arith.constant dense<2147483647> : vector<512xi32>
    %reduce_min3A_54 = vector.multi_reduction <minsi>, %select_n3A_52, %reduce_min3A_53 [1] : vector<512x2048xi32> to vector<512xi32>
    %add3A_55 = arith.constant 0 : i32
    %add3A_56 = vector.broadcast %add3A_55 : i32 to vector<512xi32>
    %add3A_57 = arith.addi %reduce_min3A_54, %add3A_56 : vector<512xi32>
    %lt3A = arith.cmpf olt, %reduce_min3A_45, %broadcast_in_dim3A_3 : vector<512xf32>
    %select_n3A_58 = arith.select %lt3A, %add3A_57, %broadcast_in_dim3A_5 : vector<512xi1>, vector<512xi32>
    %select_n3A_59 = arith.select %lt3A, %reduce_min3A_45, %broadcast_in_dim3A_3 : vector<512xi1>, vector<512xf32>
    %get3A_60 = arith.constant 2048 : index
    %get3A_61 = arith.constant 0 : index
    %get3A_62 = vector.load %arg0[%get3A_60, %get3A_61] : memref<8192x128xf32, #tpu.memory_space<vmem>>, vector<2048x128xf32>
    %mul3A_63 = arith.mulf %get3A_62, %get3A_62 : vector<2048x128xf32>
    %reduce_sum3A_64 = arith.constant dense<0.000000e+00> : vector<2048xf32>
    %reduce_sum3A_65 = vector.multi_reduction <add>, %mul3A_63, %reduce_sum3A_64 [1] : vector<2048x128xf32> to vector<2048xf32>
    %dot_general3A_66 = arith.constant dense<0.000000e+00> : vector<2048x512xf32>
    %dot_general3A_67 = tpu.matmul %get3A_62, %get3A_1, %dot_general3A_66 {dimension_numbers = #tpu.dot_dimension_numbers<[1], [1], [0], [0], [0, 0, 1, 0], [], []>, transpose_lhs_hint = false} : vector<2048x128xf32>, vector<512x128xf32>, vector<2048x512xf32> -> vector<2048x512xf32>
    %broadcast_in_dim3A_68 = vector.shape_cast %reduce_sum3A_65 : vector<2048xf32> to vector<2048x1xf32>
    %broadcast_in_dim3A_69 = vector.shape_cast %reduce_sum3A_2 : vector<512xf32> to vector<1x512xf32>
    %add3A_70 = vector.broadcast %broadcast_in_dim3A_68 : vector<2048x1xf32> to vector<2048x512xf32>
    %add3A_71 = vector.broadcast %broadcast_in_dim3A_69 : vector<1x512xf32> to vector<2048x512xf32>
    %add3A_72 = arith.addf %add3A_70, %add3A_71 : vector<2048x512xf32>
    %mul3A_73 = arith.constant 2.000000e+00 : f32
    %mul3A_74 = vector.broadcast %mul3A_73 : f32 to vector<2048x512xf32>
    %mul3A_75 = arith.mulf %mul3A_74, %dot_general3A_67 : vector<2048x512xf32>
    %sub3A_76 = arith.subf %add3A_72, %mul3A_75 : vector<2048x512xf32>
    %max3A_77 = arith.constant 0.000000e+00 : f32
    %max3A_78 = vector.broadcast %max3A_77 : f32 to vector<2048x512xf32>
    %max3A_79 = arith.maximumf %sub3A_76, %max3A_78 : vector<2048x512xf32>
    %sqrt3A_80 = math.sqrt %max3A_79 : vector<2048x512xf32>
    %reduce_min3A_81 = arith.constant dense<0x7F800000> : vector<2048xf32>
    %reduce_min3A_82 = vector.multi_reduction <minimumf>, %sqrt3A_80, %reduce_min3A_81 [1] : vector<2048x512xf32> to vector<2048xf32>
    %iota3A_83 = tpu.iota {dimensions = array<i32: 1>} : vector<2048x512xi32>
    %broadcast_in_dim3A_84 = vector.shape_cast %reduce_min3A_82 : vector<2048xf32> to vector<2048x1xf32>
    %eq3A_85 = vector.broadcast %broadcast_in_dim3A_84 : vector<2048x1xf32> to vector<2048x512xf32>
    %eq3A_86 = arith.cmpf oeq, %sqrt3A_80, %eq3A_85 : vector<2048x512xf32>
    %jit3A_87 = arith.constant 512 : i32
    %broadcast_in_dim3A_88 = vector.broadcast %jit3A_87 : i32 to vector<2048x512xi32>
    %select_n3A_89 = arith.select %eq3A_86, %iota3A_83, %broadcast_in_dim3A_88 : vector<2048x512xi1>, vector<2048x512xi32>
    %reduce_min3A_90 = arith.constant dense<2147483647> : vector<2048xi32>
    %reduce_min3A_91 = vector.multi_reduction <minsi>, %select_n3A_89, %reduce_min3A_90 [1] : vector<2048x512xi32> to vector<2048xi32>
    %swap3A_92 = arith.constant 2048 : index
    %swap3A_93 = vector.load %arg2[%swap3A_92] : memref<8192xi32, #tpu.memory_space<vmem>>, vector<2048xi32>
    tpu.vector_store %arg2[%swap3A_92], %reduce_min3A_91 {strides = array<i32>} : memref<8192xi32, #tpu.memory_space<vmem>>, vector<2048xi32>,
    %dot_general3A_94 = arith.constant dense<0.000000e+00> : vector<512x2048xf32>
    %dot_general3A_95 = tpu.matmul %get3A_1, %get3A_62, %dot_general3A_94 {dimension_numbers = #tpu.dot_dimension_numbers<[1], [1], [0], [0], [0, 0, 1, 0], [], []>, transpose_lhs_hint = false} : vector<512x128xf32>, vector<2048x128xf32>, vector<512x2048xf32> -> vector<512x2048xf32>
    %broadcast_in_dim3A_96 = vector.shape_cast %reduce_sum3A_2 : vector<512xf32> to vector<512x1xf32>
    %broadcast_in_dim3A_97 = vector.shape_cast %reduce_sum3A_65 : vector<2048xf32> to vector<1x2048xf32>
    %add3A_98 = vector.broadcast %broadcast_in_dim3A_96 : vector<512x1xf32> to vector<512x2048xf32>
    %add3A_99 = vector.broadcast %broadcast_in_dim3A_97 : vector<1x2048xf32> to vector<512x2048xf32>
    %add3A_100 = arith.addf %add3A_98, %add3A_99 : vector<512x2048xf32>
    %mul3A_101 = arith.constant 2.000000e+00 : f32
    %mul3A_102 = vector.broadcast %mul3A_101 : f32 to vector<512x2048xf32>
    %mul3A_103 = arith.mulf %mul3A_102, %dot_general3A_95 : vector<512x2048xf32>
    %sub3A_104 = arith.subf %add3A_100, %mul3A_103 : vector<512x2048xf32>
    %max3A_105 = arith.constant 0.000000e+00 : f32
    %max3A_106 = vector.broadcast %max3A_105 : f32 to vector<512x2048xf32>
    %max3A_107 = arith.maximumf %sub3A_104, %max3A_106 : vector<512x2048xf32>
    %sqrt3A_108 = math.sqrt %max3A_107 : vector<512x2048xf32>
    %reduce_min3A_109 = arith.constant dense<0x7F800000> : vector<512xf32>
    %reduce_min3A_110 = vector.multi_reduction <minimumf>, %sqrt3A_108, %reduce_min3A_109 [1] : vector<512x2048xf32> to vector<512xf32>
    %iota3A_111 = tpu.iota {dimensions = array<i32: 1>} : vector<512x2048xi32>
    %broadcast_in_dim3A_112 = vector.shape_cast %reduce_min3A_110 : vector<512xf32> to vector<512x1xf32>
    %eq3A_113 = vector.broadcast %broadcast_in_dim3A_112 : vector<512x1xf32> to vector<512x2048xf32>
    %eq3A_114 = arith.cmpf oeq, %sqrt3A_108, %eq3A_113 : vector<512x2048xf32>
    %jit3A_115 = arith.constant 2048 : i32
    %broadcast_in_dim3A_116 = vector.broadcast %jit3A_115 : i32 to vector<512x2048xi32>
    %select_n3A_117 = arith.select %eq3A_114, %iota3A_111, %broadcast_in_dim3A_116 : vector<512x2048xi1>, vector<512x2048xi32>
    %reduce_min3A_118 = arith.constant dense<2147483647> : vector<512xi32>
    %reduce_min3A_119 = vector.multi_reduction <minsi>, %select_n3A_117, %reduce_min3A_118 [1] : vector<512x2048xi32> to vector<512xi32>
    %add3A_120 = arith.constant 2048 : i32
    %add3A_121 = vector.broadcast %add3A_120 : i32 to vector<512xi32>
    %add3A_122 = arith.addi %reduce_min3A_119, %add3A_121 : vector<512xi32>
    %lt3A_123 = arith.cmpf olt, %reduce_min3A_110, %select_n3A_59 : vector<512xf32>
    %select_n3A_124 = arith.select %lt3A_123, %add3A_122, %select_n3A_58 : vector<512xi1>, vector<512xi32>
    %select_n3A_125 = arith.select %lt3A_123, %reduce_min3A_110, %select_n3A_59 : vector<512xi1>, vector<512xf32>
    %get3A_126 = arith.constant 4096 : index
    %get3A_127 = arith.constant 0 : index
    %get3A_128 = vector.load %arg0[%get3A_126, %get3A_127] : memref<8192x128xf32, #tpu.memory_space<vmem>>, vector<2048x128xf32>
    %mul3A_129 = arith.mulf %get3A_128, %get3A_128 : vector<2048x128xf32>
    %reduce_sum3A_130 = arith.constant dense<0.000000e+00> : vector<2048xf32>
    %reduce_sum3A_131 = vector.multi_reduction <add>, %mul3A_129, %reduce_sum3A_130 [1] : vector<2048x128xf32> to vector<2048xf32>
    %dot_general3A_132 = arith.constant dense<0.000000e+00> : vector<2048x512xf32>
    %dot_general3A_133 = tpu.matmul %get3A_128, %get3A_1, %dot_general3A_132 {dimension_numbers = #tpu.dot_dimension_numbers<[1], [1], [0], [0], [0, 0, 1, 0], [], []>, transpose_lhs_hint = false} : vector<2048x128xf32>, vector<512x128xf32>, vector<2048x512xf32> -> vector<2048x512xf32>
    %broadcast_in_dim3A_134 = vector.shape_cast %reduce_sum3A_131 : vector<2048xf32> to vector<2048x1xf32>
    %broadcast_in_dim3A_135 = vector.shape_cast %reduce_sum3A_2 : vector<512xf32> to vector<1x512xf32>
    %add3A_136 = vector.broadcast %broadcast_in_dim3A_134 : vector<2048x1xf32> to vector<2048x512xf32>
    %add3A_137 = vector.broadcast %broadcast_in_dim3A_135 : vector<1x512xf32> to vector<2048x512xf32>
    %add3A_138 = arith.addf %add3A_136, %add3A_137 : vector<2048x512xf32>
    %mul3A_139 = arith.constant 2.000000e+00 : f32
    %mul3A_140 = vector.broadcast %mul3A_139 : f32 to vector<2048x512xf32>
    %mul3A_141 = arith.mulf %mul3A_140, %dot_general3A_133 : vector<2048x512xf32>
    %sub3A_142 = arith.subf %add3A_138, %mul3A_141 : vector<2048x512xf32>
    %max3A_143 = arith.constant 0.000000e+00 : f32
    %max3A_144 = vector.broadcast %max3A_143 : f32 to vector<2048x512xf32>
    %max3A_145 = arith.maximumf %sub3A_142, %max3A_144 : vector<2048x512xf32>
    %sqrt3A_146 = math.sqrt %max3A_145 : vector<2048x512xf32>
    %reduce_min3A_147 = arith.constant dense<0x7F800000> : vector<2048xf32>
    %reduce_min3A_148 = vector.multi_reduction <minimumf>, %sqrt3A_146, %reduce_min3A_147 [1] : vector<2048x512xf32> to vector<2048xf32>
    %iota3A_149 = tpu.iota {dimensions = array<i32: 1>} : vector<2048x512xi32>
    %broadcast_in_dim3A_150 = vector.shape_cast %reduce_min3A_148 : vector<2048xf32> to vector<2048x1xf32>
    %eq3A_151 = vector.broadcast %broadcast_in_dim3A_150 : vector<2048x1xf32> to vector<2048x512xf32>
    %eq3A_152 = arith.cmpf oeq, %sqrt3A_146, %eq3A_151 : vector<2048x512xf32>
    %jit3A_153 = arith.constant 512 : i32
    %broadcast_in_dim3A_154 = vector.broadcast %jit3A_153 : i32 to vector<2048x512xi32>
    %select_n3A_155 = arith.select %eq3A_152, %iota3A_149, %broadcast_in_dim3A_154 : vector<2048x512xi1>, vector<2048x512xi32>
    %reduce_min3A_156 = arith.constant dense<2147483647> : vector<2048xi32>
    %reduce_min3A_157 = vector.multi_reduction <minsi>, %select_n3A_155, %reduce_min3A_156 [1] : vector<2048x512xi32> to vector<2048xi32>
    %swap3A_158 = arith.constant 4096 : index
    %swap3A_159 = vector.load %arg2[%swap3A_158] : memref<8192xi32, #tpu.memory_space<vmem>>, vector<2048xi32>
    tpu.vector_store %arg2[%swap3A_158], %reduce_min3A_157 {strides = array<i32>} : memref<8192xi32, #tpu.memory_space<vmem>>, vector<2048xi32>,
    %dot_general3A_160 = arith.constant dense<0.000000e+00> : vector<512x2048xf32>
    %dot_general3A_161 = tpu.matmul %get3A_1, %get3A_128, %dot_general3A_160 {dimension_numbers = #tpu.dot_dimension_numbers<[1], [1], [0], [0], [0, 0, 1, 0], [], []>, transpose_lhs_hint = false} : vector<512x128xf32>, vector<2048x128xf32>, vector<512x2048xf32> -> vector<512x2048xf32>
    %broadcast_in_dim3A_162 = vector.shape_cast %reduce_sum3A_2 : vector<512xf32> to vector<512x1xf32>
    %broadcast_in_dim3A_163 = vector.shape_cast %reduce_sum3A_131 : vector<2048xf32> to vector<1x2048xf32>
    %add3A_164 = vector.broadcast %broadcast_in_dim3A_162 : vector<512x1xf32> to vector<512x2048xf32>
    %add3A_165 = vector.broadcast %broadcast_in_dim3A_163 : vector<1x2048xf32> to vector<512x2048xf32>
    %add3A_166 = arith.addf %add3A_164, %add3A_165 : vector<512x2048xf32>
    %mul3A_167 = arith.constant 2.000000e+00 : f32
    %mul3A_168 = vector.broadcast %mul3A_167 : f32 to vector<512x2048xf32>
    %mul3A_169 = arith.mulf %mul3A_168, %dot_general3A_161 : vector<512x2048xf32>
    %sub3A_170 = arith.subf %add3A_166, %mul3A_169 : vector<512x2048xf32>
    %max3A_171 = arith.constant 0.000000e+00 : f32
    %max3A_172 = vector.broadcast %max3A_171 : f32 to vector<512x2048xf32>
    %max3A_173 = arith.maximumf %sub3A_170, %max3A_172 : vector<512x2048xf32>
    %sqrt3A_174 = math.sqrt %max3A_173 : vector<512x2048xf32>
    %reduce_min3A_175 = arith.constant dense<0x7F800000> : vector<512xf32>
    %reduce_min3A_176 = vector.multi_reduction <minimumf>, %sqrt3A_174, %reduce_min3A_175 [1] : vector<512x2048xf32> to vector<512xf32>
    %iota3A_177 = tpu.iota {dimensions = array<i32: 1>} : vector<512x2048xi32>
    %broadcast_in_dim3A_178 = vector.shape_cast %reduce_min3A_176 : vector<512xf32> to vector<512x1xf32>
    %eq3A_179 = vector.broadcast %broadcast_in_dim3A_178 : vector<512x1xf32> to vector<512x2048xf32>
    %eq3A_180 = arith.cmpf oeq, %sqrt3A_174, %eq3A_179 : vector<512x2048xf32>
    %jit3A_181 = arith.constant 2048 : i32
    %broadcast_in_dim3A_182 = vector.broadcast %jit3A_181 : i32 to vector<512x2048xi32>
    %select_n3A_183 = arith.select %eq3A_180, %iota3A_177, %broadcast_in_dim3A_182 : vector<512x2048xi1>, vector<512x2048xi32>
    %reduce_min3A_184 = arith.constant dense<2147483647> : vector<512xi32>
    %reduce_min3A_185 = vector.multi_reduction <minsi>, %select_n3A_183, %reduce_min3A_184 [1] : vector<512x2048xi32> to vector<512xi32>
    %add3A_186 = arith.constant 4096 : i32
    %add3A_187 = vector.broadcast %add3A_186 : i32 to vector<512xi32>
    %add3A_188 = arith.addi %reduce_min3A_185, %add3A_187 : vector<512xi32>
    %lt3A_189 = arith.cmpf olt, %reduce_min3A_176, %select_n3A_125 : vector<512xf32>
    %select_n3A_190 = arith.select %lt3A_189, %add3A_188, %select_n3A_124 : vector<512xi1>, vector<512xi32>
    %select_n3A_191 = arith.select %lt3A_189, %reduce_min3A_176, %select_n3A_125 : vector<512xi1>, vector<512xf32>
    %get3A_192 = arith.constant 6144 : index
    %get3A_193 = arith.constant 0 : index
    %get3A_194 = vector.load %arg0[%get3A_192, %get3A_193] : memref<8192x128xf32, #tpu.memory_space<vmem>>, vector<2048x128xf32>
    %mul3A_195 = arith.mulf %get3A_194, %get3A_194 : vector<2048x128xf32>
    %reduce_sum3A_196 = arith.constant dense<0.000000e+00> : vector<2048xf32>
    %reduce_sum3A_197 = vector.multi_reduction <add>, %mul3A_195, %reduce_sum3A_196 [1] : vector<2048x128xf32> to vector<2048xf32>
    %dot_general3A_198 = arith.constant dense<0.000000e+00> : vector<2048x512xf32>
    %dot_general3A_199 = tpu.matmul %get3A_194, %get3A_1, %dot_general3A_198 {dimension_numbers = #tpu.dot_dimension_numbers<[1], [1], [0], [0], [0, 0, 1, 0], [], []>, transpose_lhs_hint = false} : vector<2048x128xf32>, vector<512x128xf32>, vector<2048x512xf32> -> vector<2048x512xf32>
    %broadcast_in_dim3A_200 = vector.shape_cast %reduce_sum3A_197 : vector<2048xf32> to vector<2048x1xf32>
    %broadcast_in_dim3A_201 = vector.shape_cast %reduce_sum3A_2 : vector<512xf32> to vector<1x512xf32>
    %add3A_202 = vector.broadcast %broadcast_in_dim3A_200 : vector<2048x1xf32> to vector<2048x512xf32>
    %add3A_203 = vector.broadcast %broadcast_in_dim3A_201 : vector<1x512xf32> to vector<2048x512xf32>
    %add3A_204 = arith.addf %add3A_202, %add3A_203 : vector<2048x512xf32>
    %mul3A_205 = arith.constant 2.000000e+00 : f32
    %mul3A_206 = vector.broadcast %mul3A_205 : f32 to vector<2048x512xf32>
    %mul3A_207 = arith.mulf %mul3A_206, %dot_general3A_199 : vector<2048x512xf32>
    %sub3A_208 = arith.subf %add3A_204, %mul3A_207 : vector<2048x512xf32>
    %max3A_209 = arith.constant 0.000000e+00 : f32
    %max3A_210 = vector.broadcast %max3A_209 : f32 to vector<2048x512xf32>
    %max3A_211 = arith.maximumf %sub3A_208, %max3A_210 : vector<2048x512xf32>
    %sqrt3A_212 = math.sqrt %max3A_211 : vector<2048x512xf32>
    %reduce_min3A_213 = arith.constant dense<0x7F800000> : vector<2048xf32>
    %reduce_min3A_214 = vector.multi_reduction <minimumf>, %sqrt3A_212, %reduce_min3A_213 [1] : vector<2048x512xf32> to vector<2048xf32>
    %iota3A_215 = tpu.iota {dimensions = array<i32: 1>} : vector<2048x512xi32>
    %broadcast_in_dim3A_216 = vector.shape_cast %reduce_min3A_214 : vector<2048xf32> to vector<2048x1xf32>
    %eq3A_217 = vector.broadcast %broadcast_in_dim3A_216 : vector<2048x1xf32> to vector<2048x512xf32>
    %eq3A_218 = arith.cmpf oeq, %sqrt3A_212, %eq3A_217 : vector<2048x512xf32>
    %jit3A_219 = arith.constant 512 : i32
    %broadcast_in_dim3A_220 = vector.broadcast %jit3A_219 : i32 to vector<2048x512xi32>
    %select_n3A_221 = arith.select %eq3A_218, %iota3A_215, %broadcast_in_dim3A_220 : vector<2048x512xi1>, vector<2048x512xi32>
    %reduce_min3A_222 = arith.constant dense<2147483647> : vector<2048xi32>
    %reduce_min3A_223 = vector.multi_reduction <minsi>, %select_n3A_221, %reduce_min3A_222 [1] : vector<2048x512xi32> to vector<2048xi32>
    %swap3A_224 = arith.constant 6144 : index
    %swap3A_225 = vector.load %arg2[%swap3A_224] : memref<8192xi32, #tpu.memory_space<vmem>>, vector<2048xi32>
    tpu.vector_store %arg2[%swap3A_224], %reduce_min3A_223 {strides = array<i32>} : memref<8192xi32, #tpu.memory_space<vmem>>, vector<2048xi32>,
    %dot_general3A_226 = arith.constant dense<0.000000e+00> : vector<512x2048xf32>
    %dot_general3A_227 = tpu.matmul %get3A_1, %get3A_194, %dot_general3A_226 {dimension_numbers = #tpu.dot_dimension_numbers<[1], [1], [0], [0], [0, 0, 1, 0], [], []>, transpose_lhs_hint = false} : vector<512x128xf32>, vector<2048x128xf32>, vector<512x2048xf32> -> vector<512x2048xf32>
    %broadcast_in_dim3A_228 = vector.shape_cast %reduce_sum3A_2 : vector<512xf32> to vector<512x1xf32>
    %broadcast_in_dim3A_229 = vector.shape_cast %reduce_sum3A_197 : vector<2048xf32> to vector<1x2048xf32>
    %add3A_230 = vector.broadcast %broadcast_in_dim3A_228 : vector<512x1xf32> to vector<512x2048xf32>
    %add3A_231 = vector.broadcast %broadcast_in_dim3A_229 : vector<1x2048xf32> to vector<512x2048xf32>
    %add3A_232 = arith.addf %add3A_230, %add3A_231 : vector<512x2048xf32>
    %mul3A_233 = arith.constant 2.000000e+00 : f32
    %mul3A_234 = vector.broadcast %mul3A_233 : f32 to vector<512x2048xf32>
    %mul3A_235 = arith.mulf %mul3A_234, %dot_general3A_227 : vector<512x2048xf32>
    %sub3A_236 = arith.subf %add3A_232, %mul3A_235 : vector<512x2048xf32>
    %max3A_237 = arith.constant 0.000000e+00 : f32
    %max3A_238 = vector.broadcast %max3A_237 : f32 to vector<512x2048xf32>
    %max3A_239 = arith.maximumf %sub3A_236, %max3A_238 : vector<512x2048xf32>
    %sqrt3A_240 = math.sqrt %max3A_239 : vector<512x2048xf32>
    %reduce_min3A_241 = arith.constant dense<0x7F800000> : vector<512xf32>
    %reduce_min3A_242 = vector.multi_reduction <minimumf>, %sqrt3A_240, %reduce_min3A_241 [1] : vector<512x2048xf32> to vector<512xf32>
    %iota3A_243 = tpu.iota {dimensions = array<i32: 1>} : vector<512x2048xi32>
    %broadcast_in_dim3A_244 = vector.shape_cast %reduce_min3A_242 : vector<512xf32> to vector<512x1xf32>
    %eq3A_245 = vector.broadcast %broadcast_in_dim3A_244 : vector<512x1xf32> to vector<512x2048xf32>
    %eq3A_246 = arith.cmpf oeq, %sqrt3A_240, %eq3A_245 : vector<512x2048xf32>
    %jit3A_247 = arith.constant 2048 : i32
    %broadcast_in_dim3A_248 = vector.broadcast %jit3A_247 : i32 to vector<512x2048xi32>
    %select_n3A_249 = arith.select %eq3A_246, %iota3A_243, %broadcast_in_dim3A_248 : vector<512x2048xi1>, vector<512x2048xi32>
    %reduce_min3A_250 = arith.constant dense<2147483647> : vector<512xi32>
    %reduce_min3A_251 = vector.multi_reduction <minsi>, %select_n3A_249, %reduce_min3A_250 [1] : vector<512x2048xi32> to vector<512xi32>
    %add3A_252 = arith.constant 6144 : i32
    %add3A_253 = vector.broadcast %add3A_252 : i32 to vector<512xi32>
    %add3A_254 = arith.addi %reduce_min3A_251, %add3A_253 : vector<512xi32>
    %lt3A_255 = arith.cmpf olt, %reduce_min3A_242, %select_n3A_191 : vector<512xf32>
    %select_n3A_256 = arith.select %lt3A_255, %add3A_254, %select_n3A_190 : vector<512xi1>, vector<512xi32>
    %swap3A_257 = arith.constant 0 : index
    %swap3A_258 = vector.load %arg3[%swap3A_257] : memref<512xi32, #tpu.memory_space<vmem>>, vector<512xi32>
    tpu.vector_store %arg3[%swap3A_257], %select_n3A_256 {strides = array<i32>} : memref<512xi32, #tpu.memory_space<vmem>>, vector<512xi32>,
    return
  }
}

</mosaic_0001>

<sc_bundles>
// kernel: kernel.4.cloned.1.call-start
scs
__scs_entry_jumppad:
0x0: {  	(pc) =	sbr.rel $0x88, $3  }
0x1: {  	(tag) =	ssettag $0x0;
	lr =	simm.s32 $0x1  }
0x2: {  	[smem:$0x3F93] =	sst lr;
	_ =	strace $0xD0000000  }
0x3: {  	_ = 	snop  }
0x4: {  	_ = 	snop  }
0x5: {  	_ = 	snop  }
0x6: {  	_ = 	snop  }
0x7: {  	_ = 	snop  }
__scs_overlays_trampoline_lowered:
0x8: {  	[smem:$0x3FA2] =	sst s0  }
0x9: {  	[smem:$0x3FA3] =	sst s1  }
0xa: {  	[smem:$0x3FA4] =	sst s2  }
0xb: {  	[smem:$0x3FA5] =	sst s3  }
0xc: {  	[smem:$0x3FA6] =	sst s4  }
0xd: {  	[smem:$0x3FA7] =	sst s5  }
0xe: {  	[smem:$0x3FA8] =	sst s6  }
0xf: {  	[smem:$0x3FA9] =	sst s7  }
0x10: {  	[smem:$0x3FAA] =	sst s8  }
0x11: {  	[smem:$0x3FAB] =	sst s9;
	s0 =	simm.s32 @!p0 $0x0  }
0x12: {  	s1 =	sld [smem:$0x3F91];
	s0 =	simm.s32 @p0 $0x1  }
0x13: {  	[smem:$0x3FAC] =	sst s0;
	s0 =	simm.s32 @!p1 $0x0  }
0x14: {  	s2 =	sld [smem:$0x3F90];
	s0 =	simm.s32 @p1 $0x1  }
0x15: {  	[smem:$0x3FAD] =	sst s0;
	s0 =	simm.s32 @!p2 $0x0  }
0x16: {  	s3 =	sld [smem:$0x3FDB];
	s0 =	simm.s32 @p2 $0x1  }
0x17: {  	s4 =	simm.s32 $0x1BF5;
	[smem:$0x3FAF] =	sst s0  }
0x18: {  	s0 =	sld [smem:$0x3F92];
	_ =	swait.ge [sflag:s4], $0x0  }
0x19: {  	s7 =	sld [smem:$0x3F93]  }
0x1a: {  	s8 =	sadd.s32 $0xFFFFE003, lr  }
0x1b: {  	s9 =	sadd.s32 $0xFFFFFEF7, lr;
	s5 =	simm.s32 $0xFFFFFFFF;
	p2 =	slt.u32 s8, $0xFFFFF086  }
0x1c: {  	p1 =	slt.u32 s9, $0xF7A;
	s5 =	simm.s32 @!p2 $0x0  }
0x1d: {  	s5 =	simm.s32 @p1 $0x1;
	p0 =	seq.s32 s7, s2  }
0x1e: {  	s7 =	smul.u32 @!p0 $0xF7A, s2;
	p2 =	seq.s32 @!p0 s5, $0x0  }
0x1f: {  	s9 =	smul.u32 $0xF7A, s1;
	s8 =	simm.s32 @!p0 $0x1BF5;
	p2 =	por !p2, p0  }
0x20: {  	[sflag:s8] =	ssyncset.s32 @!p0 $0xFFFFF086;
	s6 =	sadd.s32 @!p0 s3, s7;
	s7 =	simm.s32 @!p0 $0x108  }
0x21: {  	s3 =	sadd.s32 s3, s9;
	s6 =	sadd.s32 @!p0 $0x88, s6;
	s7 =	simm.s32 @p2 $0x1082  }
0x22: {  	[simem:s7], [sflag:s8] =	dma.local @!p0 [hbm:s6], $0xF7A  }
0x23: {  	s9 =	sor.u32 $0xD0000000, s2;
	s6 =	simm.s32 $0x108;
	_ =	swait.ge @!p0 [sflag:s8], $0x0  }
0x24: {  	s3 =	sadd.s32 $0x88, s3;
	s6 =	simm.s32 @!p1 $0x1082;
	[sflag:s4] =	ssyncset.s32 $0xFFFFF086  }
0x25: {  	[simem:s6], [sflag:s4] =	dma.local [hbm:s3], $0xF7A  }
0x26: {  	[smem:$0x3F93] =	sst s1;
	(tag) =	ssettag s2;
	_ =	strace s9  }
0x27: {  	s1 =	sld [smem:$0x3FA3]  }
0x28: {  	s2 =	sld [smem:$0x3FA4]  }
0x29: {  	s4 =	sld [smem:$0x3FA6]  }
0x2a: {  	p0 =	seq.s32 s5, $0x0;
	s5 =	sld [smem:$0x3FA7]  }
0x2b: {  	s6 =	sld [smem:$0x3FA8]  }
0x2c: {  	s7 =	sld [smem:$0x3FA9]  }
0x2d: {  	s3 =	simm.s32 $0x108;
	s8 =	sld [smem:$0x3FAA]  }
0x2e: {  	s3 =	simm.s32 @!p0 $0x1082;
	s9 =	sld [smem:$0x3FAB]  }
0x2f: {  	lr =	sadd.s32 s0, s3;
	s0 =	sld [smem:$0x3FA2]  }
0x30: {  	s3 =	sld [smem:$0x3FA5]  }
0x31: {  	[smem:$0x3FAE] =	sst s10  }
0x32: {  	s10 =	sld [smem:$0x3FAC];
	_ =	sdelay $0x3  }
0x33: {  	p0 =	seq.s32 s10, $0x1;
	s10 =	sld [smem:$0x3FAE];
	_ =	sdelay $0x3  }
0x34: {  	[smem:$0x3FAE] =	sst s10  }
0x35: {  	s10 =	sld [smem:$0x3FAD];
	_ =	sdelay $0x3  }
0x36: {  	p1 =	seq.s32 s10, $0x1;
	s10 =	sld [smem:$0x3FAE];
	_ =	sdelay $0x3  }
0x37: {  	[smem:$0x3FAE] =	sst s10  }
0x38: {  	s10 =	sld [smem:$0x3FAF]  }
0x39: {  	_ = 	snop;
	(pc) =	sbr.ind lr, $3  }
0x3a: {  	_ = 	snop  }
0x3b: {  	_ = 	snop  }
0x3c: {  	p2 =	seq.s32 s10, $0x1;
	s10 =	sld [smem:$0x3FAE]  }
0x3d: {  	_ =	shalt  }
0x3e: {  	_ =	shalt  }
0x3f: {  	_ =	shalt  }
0x40: {  	_ =	shalt  }
0x41: {  	_ =	shalt  }
0x42: {  	_ =	shalt  }
0x43: {  	_ =	shalt  }
0x44: {  	_ =	shalt  }
0x45: {  	_ =	shalt  }
0x46: {  	_ =	shalt  }
0x47: {  	_ =	shalt  }
0x48: {  	_ =	shalt  }
0x49: {  	_ =	shalt  }
0x4a: {  	_ =	shalt  }
0x4b: {  	_ =	shalt  }
0x4c: {  	_ =	shalt  }
0x4d: {  	_ =	shalt  }
0x4e: {  	_ =	shalt  }
0x4f: {  	_ =	shalt  }
0x50: {  	_ =	shalt  }
0x51: {  	_ =	shalt  }
0x52: {  	_ =	shalt  }
0x53: {  	_ =	shalt  }
0x54: {  	_ =	shalt  }
0x55: {  	_ =	shalt  }
0x56: {  	_ =	shalt  }
0x57: {  	_ =	shalt  }
0x58: {  	_ =	shalt  }
0x59: {  	_ =	shalt  }
0x5a: {  	_ =	shalt  }
0x5b: {  	_ =	shalt  }
0x5c: {  	_ =	shalt  }
0x5d: {  	_ =	shalt  }
0x5e: {  	_ =	shalt  }
0x5f: {  	_ =	shalt  }
0x60: {  	_ =	shalt  }
0x61: {  	_ =	shalt  }
0x62: {  	_ =	shalt  }
0x63: {  	_ =	shalt  }
0x64: {  	_ =	shalt  }
0x65: {  	_ =	shalt  }
0x66: {  	_ =	shalt  }
0x67: {  	_ =	shalt  }
0x68: {  	_ =	shalt  }
0x69: {  	_ =	shalt  }
0x6a: {  	_ =	shalt  }
0x6b: {  	_ =	shalt  }
0x6c: {  	_ =	shalt  }
0x6d: {  	_ =	shalt  }
0x6e: {  	_ =	shalt  }
0x6f: {  	_ =	shalt  }
0x70: {  	_ =	shalt  }
0x71: {  	_ =	shalt  }
0x72: {  	_ =	shalt  }
0x73: {  	_ =	shalt  }
0x74: {  	_ =	shalt  }
0x75: {  	_ =	shalt  }
0x76: {  	_ =	shalt  }
0x77: {  	_ =	shalt  }
0x78: {  	_ =	shalt  }
0x79: {  	_ =	shalt  }
0x7a: {  	_ =	shalt  }
0x7b: {  	_ =	shalt  }
0x7c: {  	_ =	shalt  }
0x7d: {  	_ =	shalt  }
0x7e: {  	_ =	shalt  }
0x7f: {  	_ =	shalt  }
0x80: {  	_ =	shalt  }
0x81: {  	_ =	shalt  }
0x82: {  	_ =	shalt  }
0x83: {  	_ =	shalt  }
0x84: {  	_ =	shalt  }
0x85: {  	_ =	shalt  }
0x86: {  	_ =	shalt  }
0x87: {  	_ =	shalt  }
.Lfunc_end0:
.L_simem_size_0:
called_computation_lowered:
.L_overlay_start_0:
0x88: {  	s2 =	sld [smem:$0x3FD9]  }
0x89: {  	s3 =	sld [smem:$0x3FFE];
	_ =	sdelay $0x1  }
0x8a: {  	s1 =	srdreg.scid  }
0x8b: {  	s0 =	sand.u32 $0x1, s1  }
0x8c: {  	s14 =	sshll.u32 s0, $0xA;
	s2 =	sadd.s32 s3, s2  }
0x8d: {  	s2 =	sadd.s32 s2, s14  }
0x8e: {  	[smem:$0x3FBA] =	sst s2  }
0x8f: {  	_ = 	snop  }
0x90: {  	s2 =	sld [smem:$0x3FD0];
	_ =	sdelay $0x2  }
0x91: {  	s4 =	simm.s32 $0xA;
	s5 =	simm.s32 $0x10;
	s15 =	sld [smem:$0x3FC2]  }
0x92: {  	[smem:s5], [sflag:s4] =	dma.local [hbm:s2], $0x1  }
0x93: {  	_ =	swait.eq [sflag:s4], $0x1  }
0x94: {  	s16 =	sld [smem:$0x10];
	[sflag:s4] =	ssyncset.done $0x0  }
0x95: {  	s17 =	sld [smem:$0x12];
	[sflag:s4] =	ssyncadd.s32 $0xFFFFFFFF  }
0x96: {  	s18 =	sld [smem:$0x13];
	(tm) =	ssettm $0x1  }
0x97: {  	s6 =	sld [smem:$0x3FFB];
	_ =	sdelay $0x3  }
0x98: {  	_ =	strace s6  }
0x99: {  	s6 =	sld [smem:$0x3FFC];
	_ =	sdelay $0x3  }
0x9a: {  	_ =	strace s6  }
0x9b: {  	s6 =	sld [smem:$0x3FFD];
	_ =	sdelay $0x3  }
0x9c: {  	_ =	strace s6  }
0x9d: {  	_ =	strace $0x8FFFFFFF  }
0x9e: {  	s19 =	sld [smem:$0x3FDB];
	_ =	sdelay $0x1  }
0x9f: {  	s7 =	simm.s32 $_scs_section_size  }
0xa0: {  	s8 =	simm.s32 $_size__tile_overlayer_lowered;
	s9 =	simm.s32 $_tile_overlayer_lowered  }
0xa1: {  	s22 =	simm.s32 $0x1BFF;
	s21 =	sshll.u32 s9, $0x1;
	s6 =	sadd.s32 s7, s19  }
0xa2: {  	s10 =	simm.s32 $0x0;
	s20 =	sshll.u32 s8, $0x1;
	s8 =	sadd.s32 s21, s6  }
0xa3: {  	[timem:s10], [sflag:s22] =	dma.local [hbm:s8], s20  }
0xa4: {  	_ =	swait.ge [sflag:s22], s20  }
0xa5: {  	s7 =	ssub.s32 $0x0, s20;
	[sflag:s22] =	ssyncset.done $0x0  }
0xa6: {  	[sflag:s22] =	ssyncadd.s32 s7;
	_ =	sdelay $0x1  }
0xa7: {  	s23 =	simm.s32 $0x1B8B  }
0xa8: {  	_ =	swait.ge [sflag:s23], $0x1  }
0xa9: {  	[sflag:s23] =	ssyncset.done $0x0  }
0xaa: {  	s25 =	simm.s32 $0x1B8E;
	s24 =	sld [smem:$0x3FFE];
	[sflag:s23] =	ssyncadd.s32 $0xFFFFFFFF  }
0xab: {  	s26 =	simm.s32 $execute0_lowered;
	[smem:$0x3FD2] =	sst s25  }
0xac: {  	s8 =	sshll.u32 s26, $0x1;
	_ =	strace $0x80000046;
	[dreg:$0x1] =	wrdreg $0xFFFFFFFF  }
0xad: {  	s28 =	simm.s32 $_size_execute0_lowered;
	s6 =	sadd.s32 s6, s8;
	[dreg:$0x0] =	wrdreg $0x0  }
0xae: {  	s8 =	sshll.u32 s28, $0x1;
	[dreg:$0x2] =	wrdreg s6  }
0xaf: {  	[dreg:$0x3] =	wrdreg s8  }
0xb0: {  	[dreg:$0x4] =	wrdreg $0xC0  }
0xb1: {  	_ =	task [dreg:s10], $0x5FFFF  }
0xb2: {  	[dreg:$0x1] =	wrdreg $0xFFFFFFFF  }
0xb3: {  	[dreg:$0x0] =	wrdreg $0x60  }
0xb4: {  	[dreg:$0x2] =	wrdreg s15  }
0xb5: {  	[dreg:$0x3] =	wrdreg s16  }
0xb6: {  	[dreg:$0x4] =	wrdreg s24  }
0xb7: {  	[dreg:$0x5] =	wrdreg s17  }
0xb8: {  	[dreg:$0x6] =	wrdreg s18  }
0xb9: {  	[dreg:$0x7] =	wrdreg $0x9  }
0xba: {  	_ =	task.clear_ibuf [dreg:s10], $0x8FFFF;
	_ =	strace $0x90000046  }
0xbb: {  	s29 =	simm.s32 $0x9;
	_ =	strace $0x80000048  }
0xbc: {  	_ =	swait.ge [sflag:s29], $0x1  }
0xbd: {  	[sflag:s29] =	ssyncadd.s32 $0xFFFFFFFF  }
0xbe: {  	_ =	strace $0x90000048  }
0xbf: {  	_ =	sfence  }
0xc0: {  	s30 =	sld [smem:$0x0];
	_ =	sdelay $0x2  }
0xc1: {  	s31 =	sshll.u32 s1, $0xD;
	s1 =	sshrl.u32 s1, $0x2  }
0xc2: {  	s3 =	sand.u32 $0x4000, s31;
	s1 =	sadd.s32 s1, s30  }
0xc3: {  	s0 =	sor.u32 s3, s0;
	s1 =	sshll.u32 s1, $0x11  }
0xc4: {  	s0 =	sor.u32 s1, s0  }
0xc5: {  	s0 =	sadd.s32 $0x8F2B, s0  }
0xc6: {  	[sflag:s0] =	ssyncadd.remote.s32 $0x1  }
0xc7: {  	_ =	sfence.sel $0xFFFF  }
0xc8: {  	[dreg:$0x0] =	wrdreg $0xFFFFFFFF;
	(pc) =	sbr.abs _section_cstart, $3  }
0xc9: {  	[dreg:$0x1] =	wrdreg $0xFFFFFFFF  }
0xca: {  	_ =	task.clear_ibuf [dreg:s10], $0x2FFFF;
	_ =	strace $0x9FFFFFFF  }
0xcb: {  	(tm) =	ssettm $0x7FFFFFFF  }
tec
execute0_lowered:
.L_overlay_start_1:
0x0: {  	(tag) =	ssettag $0x1  }
0x1: {  	s1 =	rddreg [dreg:$0x0]  }
0x2: {  	s4 =	rddreg [dreg:$0x1]  }
0x3: {  	s11 =	rddreg [dreg:$0x2]  }
0x4: {  	s8 =	rddreg [dreg:$0x3]  }
0x5: {  	s2 =	srdreg.scid;
	s0 =	stileid.u32  }
0x6: {  	s14 =	rddreg [dreg:$0x4];
	s12 =	sand.u32 $0x1, s2;
	s5 =	sshll.u32 s0, $0x1  }
0x7: {  	s3 =	simm.s32 $0x0;
	s2 =	rddreg [dreg:$0x5];
	s15 =	sor.u32 s12, s5  }
0x8: {  	[smem:$0x7FF] =	sst s3;
	s5 =	sshll.u32 s15, $0x5  }
0x9: {  	_ =	strace $0x80000047;
	s5 =	sadd.s32 s4, s5;
	s4 =	simm.s32 $0x2  }
0xa: {  	[tilespmem:s3], [sflag:$0x2] =	stream.linear.gather [hbm4b:s5+s3], $0x100, $0x38;
	[tilespmem:$0x8980] =	vst v63  }
0xb: {  	_ =	swait.ge [sflag:s4], $0x100  }
0xc: {  	[sflag:s4] =	ssyncset.done $0x0  }
0xd: {  	s6 =	simm.s32 $0x100;
	s7 =	simm.s32 $0x1;
	[sflag:s4] =	ssyncadd.s32 $0xFFFFFF00  }
0xe: {  	[tilespmem:s6], [sflag:$0x1] =	stream.indirect.gather [hbm4b:s1+s6], $0x80, s3, s6, $0xb8;
	[tilespmem:$0x8980] =	vst v63  }
0xf: {  	_ =	swait.ge [sflag:s7], $0x8000  }
0x10: {  	s9 =	sshll.u32 s15, $0xC;
	[sflag:s7] =	ssyncset.done $0x0  }
0x11: {  	s8 =	sadd.s32 s8, s9;
	[sflag:s7] =	ssyncadd.s32 $0xFFFF8000  }
0x12: {  	[hbm4b:s8+s3] =	stream.linear.scatter [tilespmem:s6], [sflag:$0x2], $0x8000, $0x38;
	[tilespmem:$0x8980] =	vst v63  }
0x13: {  	s30 =	sshll.u32 s15, $0x1;
	_ =	swait.ge [sflag:s4], $0x8000  }
0x14: {  	s10 =	simm.s32 $0x8100;
	s9 =	sadd.s32 s30, s11;
	[sflag:s4] =	ssyncset.done $0x0  }
0x15: {  	s16 =	ssub.s32 $0x2, s12;
	s9 =	sadd.s32 $0x22C00, s9;
	[sflag:s4] =	ssyncadd.s32 $0xFFFF8000  }
0x16: {  	[tilespmem:s10], [sflag:$0x2] =	stream.linear.gather [hbm4b:s9+s3], $0x10, $0x38;
	[tilespmem:$0x8980] =	vst v63  }
0x17: {  	s13 =	simm.s32 $0x8180;
	s17 =	sshrl.u32 s16, $0x1;
	_ =	swait.ge [sflag:s4], $0x10  }
0x18: {  	s12 =	simm.s32 $0x10;
	s16 =	ssub.s32 s16, s17;
	[sflag:s4] =	ssyncset.done $0x0  }
0x19: {  	s11 =	sadd.s32 $0x2C00, s11;
	s31 =	smax.u32 s16, $0x1;
	[sflag:s4] =	ssyncadd.s32 $0xFFFFFFF0  }
0x1a: {  	[tilespmem:s13], [sflag:$0x1] =	stream.indirect.gather [hbm4b:s11+s12], $0x80, s10, s12, $0xb8;
	[tilespmem:$0x8980] =	vst v63  }
0x1b: {  	p0 =	sne.s32 s31, $0x1;
	_ =	swait.ge [sflag:s7], $0x800  }
.Ltmp0:
0x1c: {  	s15 =	sshll.u32 s15, $0x8;
	[sflag:s7] =	ssyncset.done $0x0;
	(pc) =	sbr.rel @!p0 .LBB2_2-.Ltmp0, $4  }
0x1d: {  	s14 =	sadd.s32 s14, s15;
	[sflag:s7] =	ssyncadd.s32 $0xFFFFF800  }
0x1e: {  	[hbm4b:s14+s3] =	stream.linear.scatter [tilespmem:s13], [sflag:$0x2], $0x800, $0x38;
	[tilespmem:$0x8980] =	vst v63  }
0x1f: {  	_ =	swait.ge [sflag:s4], $0x800  }
0x20: {  	s15 =	sadd.s32 $0xFFFFFFFF, s31;
	[sflag:s4] =	ssyncset.done $0x0  }
.LBB2_1:
0x21: {  	p0 =	sne.s32 s15, $0x1;
	s15 =	sadd.s32 $0xFFFFFFFF, s15;
	[sflag:s4] =	ssyncadd.s32 $0xFFFFF800  }
0x22: {  	[tilespmem:s3], [sflag:$0x2] =	stream.linear.gather [hbm4b:s5+s3], $0x100, $0x38;
	[tilespmem:$0x8980] =	vst v63  }
0x23: {  	_ =	swait.ge [sflag:s4], $0x100  }
0x24: {  	[sflag:s4] =	ssyncset.done $0x0  }
0x25: {  	[sflag:s4] =	ssyncadd.s32 $0xFFFFFF00  }
0x26: {  	[tilespmem:s6], [sflag:$0x1] =	stream.indirect.gather [hbm4b:s1+s6], $0x80, s3, s6, $0xb8;
	[tilespmem:$0x8980] =	vst v63  }
0x27: {  	_ =	swait.ge [sflag:s7], $0x8000  }
0x28: {  	[sflag:s7] =	ssyncset.done $0x0  }
0x29: {  	[sflag:s7] =	ssyncadd.s32 $0xFFFF8000  }
0x2a: {  	[hbm4b:s8+s3] =	stream.linear.scatter [tilespmem:s6], [sflag:$0x2], $0x8000, $0x38;
	[tilespmem:$0x8980] =	vst v63  }
0x2b: {  	_ =	swait.ge [sflag:s4], $0x8000  }
0x2c: {  	[sflag:s4] =	ssyncset.done $0x0  }
0x2d: {  	[sflag:s4] =	ssyncadd.s32 $0xFFFF8000  }
0x2e: {  	[tilespmem:s10], [sflag:$0x2] =	stream.linear.gather [hbm4b:s9+s3], $0x10, $0x38;
	[tilespmem:$0x8980] =	vst v63  }
0x2f: {  	_ =	swait.ge [sflag:s4], $0x10  }
0x30: {  	[sflag:s4] =	ssyncset.done $0x0  }
0x31: {  	[sflag:s4] =	ssyncadd.s32 $0xFFFFFFF0  }
0x32: {  	[tilespmem:s13], [sflag:$0x1] =	stream.indirect.gather [hbm4b:s11+s12], $0x80, s10, s12, $0xb8;
	[tilespmem:$0x8980] =	vst v63  }
0x33: {  	_ =	swait.ge [sflag:s7], $0x800  }
.Ltmp1:
0x34: {  	[sflag:s7] =	ssyncset.done $0x0;
	(pc) =	sbr.rel @p0 .LBB2_1-.Ltmp1, $4  }
0x35: {  	[sflag:s7] =	ssyncadd.s32 $0xFFFFF800  }
0x36: {  	[hbm4b:s14+s3] =	stream.linear.scatter [tilespmem:s13], [sflag:$0x2], $0x800, $0x38;
	[tilespmem:$0x8980] =	vst v63  }
0x37: {  	_ =	swait.ge [sflag:s4], $0x800  }
0x38: {  	[sflag:s4] =	ssyncset.done $0x0  }
.LBB2_2:
0x39: {  	[sflag:s4] =	ssyncadd.s32 $0xFFFFF800  }
0x3a: {  	_ =	sfence.sel $0x180000  }
0x3b: {  	[bflag:$0x0] =	sbarrier.arrive $0xFFFF  }
0x3c: {  	p0 =	sne.s32 s0, $0x0;
	_ =	strace $0x90000047  }
0x3d: {  	s0 =	sadd.s32 @!p0 $0x100000, s2;
	[bflag:$0x2] =	sbarrier.arrive $0xFFFF  }
0x3e: {  	[sflag:s0] =	ssyncadd.tile.s32 @!p0 $0x1;
	_ =	shalt  }
.Lfunc_end2:
_tile_overlayer_lowered:
.L_overlay_start_2:
0x3f: {  	(tag) =	ssettag $0x2  }
0x40: {  	s0 =	rddreg [dreg:$0x0];
	s2 =	stileid.u32  }
0x41: {  	s1 =	rddreg [dreg:$0x1];
	p0 =	sne.s32 s2, $0x0  }
0x42: {  	s3 =	rddreg [dreg:$0x2];
	[bflag:$0x3] =	sbarrier.arrive $0xFFFF;
	s2 =	simm.s32 @!p0 $0x1C02  }
0x43: {  	[timem:s3], [sflag:s2] =	dma.local @!p0 [hbm:s0], s1  }
0x44: {  	s0 =	simm.s32 @!p0 $0x2  }
0x45: {  	_ =	swait.ge @!p0 [sflag:s0], s1  }
0x46: {  	s1 =	ssub.s32 @!p0 $0x0, s1;
	[sflag:s0] =	ssyncset.done @!p0 $0x0  }
0x47: {  	[sflag:s0] =	ssyncadd.s32 @!p0 s1  }
0x48: {  	[bflag:$0x3] =	sbarrier.arrive $0xFFFF  }
0x49: {  	_ =	shalt  }

</sc_bundles>
